<compile_context>
chip_gen: v7x
topology: tpu7x:2x2x1
jax: 0.10.2.dev20260603
libtpu: 0.0.44.dev20260713+nightly
codegen_flags: <defaults>
</compile_context>

<pallas_src>
import jax
import jax.numpy as jnp
from jax import lax
from jax.experimental import pallas as pl
from jax.experimental.pallas import tpu as pltpu
from jax.experimental.pallas import tpu_sc as plsc

B, N, NCOUT = 8, 2048, 128
KNB = 15
KPAD = 16
PW = 16
RB = 512
PB = 512
NEG = -1e30

E = B * N * KPAD
SC_TILES = 32
IDX_ROWS = E // 128
ROWS_PER_TILE = IDX_ROWS // SC_TILES


def _select_body(x_ref, xt_ref, idx_ref):
    b = pl.program_id(0)
    i = pl.program_id(1)
    xb = x_ref[0]
    xt = xt_ref[0]
    xbb = xb.astype(jnp.bfloat16).astype(jnp.float32)
    xtb = xt.astype(jnp.bfloat16).astype(jnp.float32)
    p0 = xbb[:, 0:1] * xtb[0:1, :]
    p1 = xbb[:, 1:2] * xtb[1:2, :]
    p2 = xbb[:, 2:3] * xtb[2:3, :]
    s1 = p0 + p1
    ap = s1 - p1
    e1 = (p0 - ap) + (p1 - (s1 - ap))
    s2 = s1 + p2
    ap2 = s2 - p2
    e2 = (s1 - ap2) + (p2 - (s2 - ap2))
    inner = s2 + (e1 + e2)
    xb0, xb1, xb2 = xb[:, 0:1], xb[:, 1:2], xb[:, 2:3]
    xt0, xt1, xt2 = xt[0:1, :], xt[1:2, :], xt[2:3, :]
    xx_blk = xb0 * xb0 + xb1 * xb1 + xb2 * xb2
    xx_all = xt0 * xt0 + xt1 * xt1 + xt2 * xt2
    nd = 2.0 * inner - xx_blk - xx_all
    slot = lax.broadcasted_iota(jnp.int32, (RB, KPAD), 1)
    acc0 = i * RB + lax.broadcasted_iota(jnp.int32, (RB, KPAD), 0)
    a0 = jnp.full((RB, 1), -1, jnp.int32)
    col = lax.broadcasted_iota(jnp.int32, (RB, N), 1)
    BIGI = jnp.int32(1 << 30)

    def step(j, carry):
        nd, a1p, a2p, acc = carry
        nd = jnp.where((col == a1p) | (col == a2p), NEG, nd)
        m1 = jnp.max(nd, axis=1, keepdims=True)
        hit1 = nd == m1
        cols1 = jnp.where(hit1, col, BIGI)
        a1 = jnp.min(cols1, axis=1, keepdims=True)
        a2dup = jnp.min(jnp.where(cols1 > a1, cols1, BIGI),
                        axis=1, keepdims=True)
        m2 = jnp.max(jnp.where(hit1, NEG, nd), axis=1, keepdims=True)
        a2m2 = jnp.min(jnp.where(nd == m2, col, BIGI), axis=1, keepdims=True)
        a2 = jnp.where(a2dup < BIGI, a2dup, a2m2)
        acc = jnp.where(slot == 2 * j - 1, a1, acc)
        acc = jnp.where(slot == 2 * j, a2, acc)
        return nd, a1, a2, acc

    _, _, _, acc = lax.fori_loop(0, KPAD // 2, step, (nd, a0, a0, acc0))
    idx_ref[...] = acc + b * N


def _build_select(interpret=False):
    return pl.pallas_call(
        _select_body,
        grid=(B, N // RB),
        in_specs=[
            pl.BlockSpec((1, RB, PW), lambda b, i: (b, i, 0)),
            pl.BlockSpec((1, PW, N), lambda b, i: (b, 0, 0)),
        ],
        out_specs=pl.BlockSpec((RB, KPAD), lambda b, i: (b * (N // RB) + i, 0)),
        out_shape=jax.ShapeDtypeStruct((B * N, KPAD), jnp.int32),
        interpret=interpret,
    )


def _gather_sc_body(table_hbm, idx_hbm, out_hbm, idx_v, rows_a, sem_g):
    c = lax.axis_index("c")
    s = lax.axis_index("s")
    wid = s * 2 + c
    pltpu.sync_copy(idx_hbm.at[pl.ds(wid * ROWS_PER_TILE, ROWS_PER_TILE)], idx_v)
    base = wid * ROWS_PER_TILE * 128

    def body(g, _):
        cp = pltpu.async_copy(table_hbm.at[idx_v.at[g]], rows_a, sem_g)
        cp.wait()
        pltpu.sync_copy(rows_a, out_hbm.at[pl.ds(base + g * 128, 128)])
        return 0

    lax.fori_loop(0, ROWS_PER_TILE, body, 0)


def _build_gather():
    mesh = plsc.VectorSubcoreMesh(core_axis_name="c", subcore_axis_name="s")
    return pl.kernel(
        _gather_sc_body,
        out_type=jax.ShapeDtypeStruct((E, PW), jnp.float32),
        mesh=mesh,
        scratch_types=[
            pltpu.VMEM((ROWS_PER_TILE, 128), jnp.int32),
            pltpu.VMEM((128, PW), jnp.float32),
            pltpu.SemaphoreType.DMA,
        ],
        compiler_params=pltpu.CompilerParams(use_tc_tiling_on_sc=False),
    )


def _mlp_body(g_ref, xc_ref, w1_ref, w2_ref, w3_ref, out_ref):
    xc = xc_ref[...]
    gw = g_ref[...]
    d = jnp.concatenate(
        [gw[:, k * PW:(k + 1) * PW] - xc for k in range(KPAD)], axis=0)
    h = jnp.maximum(jnp.dot(d, w1_ref[...], preferred_element_type=jnp.float32), 0.0)
    h = jnp.maximum(jnp.dot(h, w2_ref[...], preferred_element_type=jnp.float32), 0.0)
    h = jnp.dot(h, w3_ref[...], preferred_element_type=jnp.float32)
    h = h.reshape(KPAD, PB, NCOUT)
    out_ref[...] = jnp.max(h[:KNB], axis=0)


def _build_mlp(interpret=False):
    return pl.pallas_call(
        _mlp_body,
        grid=(B * N // PB,),
        in_specs=[
            pl.BlockSpec((PB, KPAD * PW), lambda p: (p, 0)),
            pl.BlockSpec((PB, PW), lambda p: (p, 0)),
            pl.BlockSpec((PW, NCOUT), lambda p: (0, 0)),
            pl.BlockSpec((NCOUT, NCOUT), lambda p: (0, 0)),
            pl.BlockSpec((NCOUT, NCOUT), lambda p: (0, 0)),
        ],
        out_specs=pl.BlockSpec((PB, NCOUT), lambda p: (p, 0)),
        out_shape=jax.ShapeDtypeStruct((B * N, NCOUT), jnp.float32),
        interpret=interpret,
    )


def kernel(xyz, W1, W2, W3):
    x = lax.stop_gradient(xyz)
    x_pad = jnp.pad(x, ((0, 0), (0, 0), (0, PW - 3)))
    xt = jnp.transpose(x_pad, (0, 2, 1))
    idx = _build_select()(x_pad, xt)
    table = x_pad.reshape(B * N, PW)
    gathered = _build_gather()(table, idx.reshape(IDX_ROWS, 128))
    w1t = jnp.pad(W1.T, ((0, PW - 3), (0, 0)))
    out = _build_mlp()(
        gathered.reshape(B * N, KPAD * PW), table, w1t, W2.T, W3.T
    )
    return out.reshape(B, N, NCOUT).transpose(0, 2, 1)

# --- scband reference (transcript-rebuilt; emitter-appended) ---
"""Pipeline reference for scband-pointcnn-5738076307724 (READ-ONLY COPY).

The authoritative reference and input builder live on the scoring server;
editing this copy changes nothing except your own understanding.
"""

import jax, jax.numpy as jnp
import numpy as np

B, N, K, NCOUT = 8, 2048, 16, 128


def setup_inputs(seed: int = 0) -> dict:
    key = jax.random.key(seed)
    k1, k2, k3, k4 = jax.random.split(key, 4)
    xyz = jax.random.normal(k1, (B, N, 3), dtype=jnp.float32)
    # conv1: Conv2d(3, n_cout, 1x1, bias=False) -> weight [n_cout, 3]
    W1 = jax.random.normal(k2, (NCOUT, 3), dtype=jnp.float32) * 0.05
    # conv_list[0], conv_list[1]: Conv2d(n_cout, n_cout, 1x1, bias=False)
    W2 = jax.random.normal(k3, (NCOUT, NCOUT), dtype=jnp.float32) * 0.05
    W3 = jax.random.normal(k4, (NCOUT, NCOUT), dtype=jnp.float32) * 0.05
    return {"xyz": xyz, "W1": W1, "W2": W2, "W3": W3}


def _group(x, k):
    # knn_point: negative squared pairwise distance, topk = nearest neighbors
    inner = jnp.einsum('bnd,bmd->bnm', x, x)
    xx = jnp.sum(x * x, axis=-1)
    neg_dist = 2.0 * inner - xx[:, :, None] - xx[:, None, :]  # [B,N,N]
    _, idx = jax.lax.top_k(neg_dist, k)  # [B,N,k], idx[...,0] is self
    idx = idx[:, :, 1:]  # dilation=1: drop self -> [B,N,k-1]
    # grouping_operation: gather neighbor coords
    grouped = jax.vmap(lambda pts, ix: pts[ix])(x, idx)  # [B,N,k-1,3]
    grouped = grouped - x[:, :, None, :]  # subtract center
    return grouped


def reference(xyz, W1, W2, W3):
    # forward does group(xyz.detach(), ...): no grad flows into grouping
    x = jax.lax.stop_gradient(xyz)
    diff = _group(x, K)  # [B,N,k-1,3]
    # conv1 (1x1) + relu; layout kept as [B,N,k-1,C]
    h = jax.nn.relu(jnp.einsum('bnkd,cd->bnkc', diff, W1))
    # conv_list[0]: idx=0 != n_blocks-2 -> relu
    h = jax.nn.relu(jnp.einsum('bnkc,oc->bnko', h, W2))
    # conv_list[1]: idx=1 == n_blocks-2 -> max over neighbor dim, return
    h = jnp.einsum('bnkc,oc->bnko', h, W3)
    out = jnp.max(h, axis=2)  # [B,N,C]
    return jnp.transpose(out, (0, 2, 1))  # [B, n_cout, N] matches torch layout

if __name__ == "__main__":
    import jax
    _d = setup_inputs()
    print(jax.jit(kernel)(*tuple(_d.values())))

</pallas_src>

<mosaic_0001>
#map = affine_map<(d0, d1) -> (0, 0)>
module attributes {stable_mosaic.version = 14 : i64} {
  func.func @_gather_sc_body(%arg0: i32, %arg1: i32, %arg2: memref<16384x16xf32, #tpu.memory_space<hbm>>, %arg3: memref<2048x128xi32, #tpu.memory_space<hbm>>, %arg4: memref<262144x16xf32, #tpu.memory_space<hbm>>, %arg5: memref<64x128xi32, #tpu.memory_space<vmem>>, %arg6: memref<128x16xf32, #tpu.memory_space<vmem>>, %arg7: memref<!tpu.dma_semaphore, #tpu.memory_space<semaphore_mem>>) attributes {dimension_semantics = [#tpu.dimension_semantics<core_parallel>, #tpu.dimension_semantics<subcore_parallel>], iteration_bounds = array<i64: 2, 16>, scalar_prefetch = 0 : i64, scratch_operands = 3 : i64, tpu.core_type = #tpu.core_type<sc_vector_subcore>, window_params = [{transform_indices = #map}, {transform_indices = #map}, {transform_indices = #map}]} {
    %mul3A = arith.constant 2 : i32
    %mul3A_0 = arith.muli %arg1, %mul3A : i32
    %add3A = arith.addi %mul3A_0, %arg0 : i32
    %mul3A_1 = arith.constant 64 : i32
    %mul3A_2 = arith.muli %add3A, %mul3A_1 : i32
    "tpu.region"() ({
      %run_scoped3A = tpu.sem_alloc : memref<!tpu.dma_semaphore, #tpu.memory_space<semaphore_mem>>
      %dma_start3A = arith.constant 0 : i32
      %dma_start3A_13 = tpu.memref_slice %arg3[%mul3A_2, %dma_start3A] : memref<2048x128xi32, #tpu.memory_space<hbm>> -> memref<64x128xi32, #tpu.memory_space<hbm>>
      %dma_start3A_14 = arith.constant 0 : i32
      %dma_start3A_15 = tpu.memref_slice %arg3[%mul3A_2, %dma_start3A_14] : memref<2048x128xi32, #tpu.memory_space<hbm>> -> memref<64x128xi32, #tpu.memory_space<hbm>>
      tpu.enqueue_dma source(%dma_start3A_15 : memref<64x128xi32, #tpu.memory_space<hbm>>) target(%arg5 : memref<64x128xi32, #tpu.memory_space<vmem>>) target_semaphore(%run_scoped3A : memref<!tpu.dma_semaphore, #tpu.memory_space<semaphore_mem>>)
      %dma_wait3A = arith.constant 0 : i32
      %dma_wait3A_16 = tpu.memref_slice %arg3[%mul3A_2, %dma_wait3A] : memref<2048x128xi32, #tpu.memory_space<hbm>> -> memref<64x128xi32, #tpu.memory_space<hbm>>
      %dma_wait3A_17 = arith.constant 0 : i32
      %dma_wait3A_18 = tpu.memref_slice %arg3[%mul3A_2, %dma_wait3A_17] : memref<2048x128xi32, #tpu.memory_space<hbm>> -> memref<64x128xi32, #tpu.memory_space<hbm>>
      tpu.wait_dma2 semaphore(%run_scoped3A : memref<!tpu.dma_semaphore, #tpu.memory_space<semaphore_mem>>) src(%dma_wait3A_18 : memref<64x128xi32, #tpu.memory_space<hbm>>) dst(%arg5 : memref<64x128xi32, #tpu.memory_space<vmem>>)
      tpu.yield
    }) : () -> ()
    %mul3A_3 = arith.constant 64 : i32
    %mul3A_4 = arith.muli %add3A, %mul3A_3 : i32
    %mul3A_5 = arith.constant 128 : i32
    %mul3A_6 = arith.muli %mul3A_4, %mul3A_5 : i32
    %scan3A = arith.constant 0 : i32
    %scan3A_7 = arith.constant 0 : i32
    %scan3A_8 = arith.constant 64 : i32
    %scan3A_9 = arith.addi %scan3A_7, %scan3A_8 : i32
    %scan3A_10 = arith.constant 1 : i32
    %scan3A_11 = scf.for %scan3A_13 = %scan3A_7 to %scan3A_9 step %scan3A_10 iter_args(%scan3A_14 = %scan3A) -> (i32)  : i32 {
      %dma_start3A = arith.constant 0 : i32
      %dma_start3A_15 = tpu.memref_slice %arg5[%scan3A_13, %dma_start3A] : memref<64x128xi32, #tpu.memory_space<vmem>> -> memref<1x128xi32, #tpu.memory_space<vmem>>
      %dma_start3A_16 = tpu.memref_squeeze %dma_start3A_15 : memref<1x128xi32, #tpu.memory_space<vmem>> -> memref<128xi32, #tpu.memory_space<vmem>>
      %dma_start3A_17 = arith.constant 0 : i32
      %dma_start3A_18 = arith.constant 0 : i32
      %dma_start3A_19 = tpu.memref_slice %arg2[%dma_start3A_17, %dma_start3A_18] : memref<16384x16xf32, #tpu.memory_space<hbm>> -> memref<16384x16xf32, #tpu.memory_space<hbm>>
      tpu.enqueue_indirect_dma source(%dma_start3A_19 : memref<16384x16xf32, #tpu.memory_space<hbm>>) target(%arg6 : memref<128x16xf32, #tpu.memory_space<vmem>>) offsets(%dma_start3A_16 : memref<128xi32, #tpu.memory_space<vmem>>) semaphore(%arg7 : memref<!tpu.dma_semaphore, #tpu.memory_space<semaphore_mem>>)
      %dma_wait3A = arith.constant 0 : i32
      %dma_wait3A_20 = tpu.memref_slice %arg5[%scan3A_13, %dma_wait3A] : memref<64x128xi32, #tpu.memory_space<vmem>> -> memref<1x128xi32, #tpu.memory_space<vmem>>
      %dma_wait3A_21 = tpu.memref_squeeze %dma_wait3A_20 : memref<1x128xi32, #tpu.memory_space<vmem>> -> memref<128xi32, #tpu.memory_space<vmem>>
      %dma_wait3A_22 = arith.constant 0 : i32
      %dma_wait3A_23 = arith.constant 0 : i32
      %dma_wait3A_24 = tpu.memref_slice %arg2[%dma_wait3A_22, %dma_wait3A_23] : memref<16384x16xf32, #tpu.memory_space<hbm>> -> memref<16384x16xf32, #tpu.memory_space<hbm>>
      tpu.wait_indirect_dma semaphore(%arg7 : memref<!tpu.dma_semaphore, #tpu.memory_space<semaphore_mem>>) src(%dma_wait3A_24 : memref<16384x16xf32, #tpu.memory_space<hbm>>) dst(%arg6 : memref<128x16xf32, #tpu.memory_space<vmem>>)
      %mul3A_25 = arith.constant 128 : i32
      %mul3A_26 = arith.muli %scan3A_13, %mul3A_25 : i32
      %add3A_27 = arith.addi %mul3A_6, %mul3A_26 : i32
      "tpu.region"() ({
        %run_scoped3A = tpu.sem_alloc : memref<!tpu.dma_semaphore, #tpu.memory_space<semaphore_mem>>
        %dma_start3A_29 = arith.constant 0 : i32
        %dma_start3A_30 = tpu.memref_slice %arg4[%add3A_27, %dma_start3A_29] : memref<262144x16xf32, #tpu.memory_space<hbm>> -> memref<128x16xf32, #tpu.memory_space<hbm>>
        %dma_start3A_31 = arith.constant 0 : i32
        %dma_start3A_32 = tpu.memref_slice %arg4[%add3A_27, %dma_start3A_31] : memref<262144x16xf32, #tpu.memory_space<hbm>> -> memref<128x16xf32, #tpu.memory_space<hbm>>
        tpu.enqueue_dma source(%arg6 : memref<128x16xf32, #tpu.memory_space<vmem>>) target(%dma_start3A_32 : memref<128x16xf32, #tpu.memory_space<hbm>>) target_semaphore(%run_scoped3A : memref<!tpu.dma_semaphore, #tpu.memory_space<semaphore_mem>>)
        %dma_wait3A_33 = arith.constant 0 : i32
        %dma_wait3A_34 = tpu.memref_slice %arg4[%add3A_27, %dma_wait3A_33] : memref<262144x16xf32, #tpu.memory_space<hbm>> -> memref<128x16xf32, #tpu.memory_space<hbm>>
        %dma_wait3A_35 = arith.constant 0 : i32
        %dma_wait3A_36 = tpu.memref_slice %arg4[%add3A_27, %dma_wait3A_35] : memref<262144x16xf32, #tpu.memory_space<hbm>> -> memref<128x16xf32, #tpu.memory_space<hbm>>
        tpu.wait_dma2 semaphore(%run_scoped3A : memref<!tpu.dma_semaphore, #tpu.memory_space<semaphore_mem>>) src(%arg6 : memref<128x16xf32, #tpu.memory_space<vmem>>) dst(%dma_wait3A_36 : memref<128x16xf32, #tpu.memory_space<hbm>>)
        tpu.yield
      }) : () -> ()
      %scan3A_28 = arith.constant 0 : i32
      scf.yield %scan3A_28 : i32
    }
    %scan3A_12 = arith.constant 64 : i32
    return
  }
}

module attributes {stable_mosaic.version = 14 : i64} {
  func.func @_select_body(%arg0: i32, %arg1: i32, %arg2: memref<1x512x16xf32, #tpu.memory_space<vmem>>, %arg3: memref<1x16x2048xf32, #tpu.memory_space<vmem>>, %arg4: memref<512x16xi32, #tpu.memory_space<vmem>>) attributes {dimension_semantics = [#tpu.dimension_semantics<arbitrary>, #tpu.dimension_semantics<arbitrary>], iteration_bounds = array<i64: 8, 4>, scalar_prefetch = 0 : i64, scratch_operands = 0 : i64, tpu.core_type = #tpu.core_type<tc>, window_params = [{transform_indices = @transform_0, window_bounds = array<i64: 1, 512, 16>}, {transform_indices = @transform_1, window_bounds = array<i64: 1, 16, 2048>}, {transform_indices = @transform_2, window_bounds = array<i64: 512, 16>}]} {
    %get3A = arith.constant 0 : index
    %get3A_0 = arith.constant 0 : index
    %get3A_1 = arith.constant 0 : index
    %get3A_2 = vector.load %arg2[%get3A, %get3A_0, %get3A_1] : memref<1x512x16xf32, #tpu.memory_space<vmem>>, vector<1x512x16xf32>
    %get3A_3 = vector.shape_cast %get3A_2 : vector<1x512x16xf32> to vector<512x16xf32>
    %get3A_4 = arith.constant 0 : index
    %get3A_5 = arith.constant 0 : index
    %get3A_6 = arith.constant 0 : index
    %get3A_7 = vector.load %arg3[%get3A_4, %get3A_5, %get3A_6] : memref<1x16x2048xf32, #tpu.memory_space<vmem>>, vector<1x16x2048xf32>
    %get3A_8 = vector.shape_cast %get3A_7 : vector<1x16x2048xf32> to vector<16x2048xf32>
    %convert_element_type3A = arith.truncf %get3A_3 : vector<512x16xf32> to vector<512x16xbf16>
    %convert_element_type3A_9 = arith.extf %convert_element_type3A : vector<512x16xbf16> to vector<512x16xf32>
    %convert_element_type3A_10 = arith.truncf %get3A_8 : vector<16x2048xf32> to vector<16x2048xbf16>
    %convert_element_type3A_11 = arith.extf %convert_element_type3A_10 : vector<16x2048xbf16> to vector<16x2048xf32>
    %slice3A = vector.extract_strided_slice %convert_element_type3A_9 {offsets = [0, 0], sizes = [512, 1], strides = [1, 1]} : vector<512x16xf32> to vector<512x1xf32>
    %slice3A_12 = vector.extract_strided_slice %convert_element_type3A_11 {offsets = [0, 0], sizes = [1, 2048], strides = [1, 1]} : vector<16x2048xf32> to vector<1x2048xf32>
    %mul3A = vector.broadcast %slice3A : vector<512x1xf32> to vector<512x2048xf32>
    %mul3A_13 = vector.broadcast %slice3A_12 : vector<1x2048xf32> to vector<512x2048xf32>
    %mul3A_14 = arith.mulf %mul3A, %mul3A_13 : vector<512x2048xf32>
    %slice3A_15 = vector.extract_strided_slice %convert_element_type3A_9 {offsets = [0, 1], sizes = [512, 1], strides = [1, 1]} : vector<512x16xf32> to vector<512x1xf32>
    %slice3A_16 = vector.extract_strided_slice %convert_element_type3A_11 {offsets = [1, 0], sizes = [1, 2048], strides = [1, 1]} : vector<16x2048xf32> to vector<1x2048xf32>
    %mul3A_17 = vector.broadcast %slice3A_15 : vector<512x1xf32> to vector<512x2048xf32>
    %mul3A_18 = vector.broadcast %slice3A_16 : vector<1x2048xf32> to vector<512x2048xf32>
    %mul3A_19 = arith.mulf %mul3A_17, %mul3A_18 : vector<512x2048xf32>
    %slice3A_20 = vector.extract_strided_slice %convert_element_type3A_9 {offsets = [0, 2], sizes = [512, 1], strides = [1, 1]} : vector<512x16xf32> to vector<512x1xf32>
    %slice3A_21 = vector.extract_strided_slice %convert_element_type3A_11 {offsets = [2, 0], sizes = [1, 2048], strides = [1, 1]} : vector<16x2048xf32> to vector<1x2048xf32>
    %mul3A_22 = vector.broadcast %slice3A_20 : vector<512x1xf32> to vector<512x2048xf32>
    %mul3A_23 = vector.broadcast %slice3A_21 : vector<1x2048xf32> to vector<512x2048xf32>
    %mul3A_24 = arith.mulf %mul3A_22, %mul3A_23 : vector<512x2048xf32>
    %add3A = arith.addf %mul3A_14, %mul3A_19 : vector<512x2048xf32>
    %sub3A = arith.subf %add3A, %mul3A_19 : vector<512x2048xf32>
    %sub3A_25 = arith.subf %mul3A_14, %sub3A : vector<512x2048xf32>
    %sub3A_26 = arith.subf %add3A, %sub3A : vector<512x2048xf32>
    %sub3A_27 = arith.subf %mul3A_19, %sub3A_26 : vector<512x2048xf32>
    %add3A_28 = arith.addf %sub3A_25, %sub3A_27 : vector<512x2048xf32>
    %add3A_29 = arith.addf %add3A, %mul3A_24 : vector<512x2048xf32>
    %sub3A_30 = arith.subf %add3A_29, %mul3A_24 : vector<512x2048xf32>
    %sub3A_31 = arith.subf %add3A, %sub3A_30 : vector<512x2048xf32>
    %sub3A_32 = arith.subf %add3A_29, %sub3A_30 : vector<512x2048xf32>
    %sub3A_33 = arith.subf %mul3A_24, %sub3A_32 : vector<512x2048xf32>
    %add3A_34 = arith.addf %sub3A_31, %sub3A_33 : vector<512x2048xf32>
    %add3A_35 = arith.addf %add3A_28, %add3A_34 : vector<512x2048xf32>
    %add3A_36 = arith.addf %add3A_29, %add3A_35 : vector<512x2048xf32>
    %slice3A_37 = vector.extract_strided_slice %get3A_3 {offsets = [0, 0], sizes = [512, 1], strides = [1, 1]} : vector<512x16xf32> to vector<512x1xf32>
    %slice3A_38 = vector.extract_strided_slice %get3A_3 {offsets = [0, 1], sizes = [512, 1], strides = [1, 1]} : vector<512x16xf32> to vector<512x1xf32>
    %slice3A_39 = vector.extract_strided_slice %get3A_3 {offsets = [0, 2], sizes = [512, 1], strides = [1, 1]} : vector<512x16xf32> to vector<512x1xf32>
    %slice3A_40 = vector.extract_strided_slice %get3A_8 {offsets = [0, 0], sizes = [1, 2048], strides = [1, 1]} : vector<16x2048xf32> to vector<1x2048xf32>
    %slice3A_41 = vector.extract_strided_slice %get3A_8 {offsets = [1, 0], sizes = [1, 2048], strides = [1, 1]} : vector<16x2048xf32> to vector<1x2048xf32>
    %slice3A_42 = vector.extract_strided_slice %get3A_8 {offsets = [2, 0], sizes = [1, 2048], strides = [1, 1]} : vector<16x2048xf32> to vector<1x2048xf32>
    %mul3A_43 = arith.mulf %slice3A_37, %slice3A_37 : vector<512x1xf32>
    %mul3A_44 = arith.mulf %slice3A_38, %slice3A_38 : vector<512x1xf32>
    %add3A_45 = arith.addf %mul3A_43, %mul3A_44 : vector<512x1xf32>
    %mul3A_46 = arith.mulf %slice3A_39, %slice3A_39 : vector<512x1xf32>
    %add3A_47 = arith.addf %add3A_45, %mul3A_46 : vector<512x1xf32>
    %mul3A_48 = arith.mulf %slice3A_40, %slice3A_40 : vector<1x2048xf32>
    %mul3A_49 = arith.mulf %slice3A_41, %slice3A_41 : vector<1x2048xf32>
    %add3A_50 = arith.addf %mul3A_48, %mul3A_49 : vector<1x2048xf32>
    %mul3A_51 = arith.mulf %slice3A_42, %slice3A_42 : vector<1x2048xf32>
    %add3A_52 = arith.addf %add3A_50, %mul3A_51 : vector<1x2048xf32>
    %mul3A_53 = arith.constant 2.000000e+00 : f32
    %mul3A_54 = vector.broadcast %mul3A_53 : f32 to vector<512x2048xf32>
    %mul3A_55 = arith.mulf %mul3A_54, %add3A_36 : vector<512x2048xf32>
    %sub3A_56 = vector.broadcast %add3A_47 : vector<512x1xf32> to vector<512x2048xf32>
    %sub3A_57 = arith.subf %mul3A_55, %sub3A_56 : vector<512x2048xf32>
    %sub3A_58 = vector.broadcast %add3A_52 : vector<1x2048xf32> to vector<512x2048xf32>
    %sub3A_59 = arith.subf %sub3A_57, %sub3A_58 : vector<512x2048xf32>
    %iota3A = tpu.iota {dimensions = array<i32: 1>} : vector<512x16xi32>
    %mul3A_60 = arith.constant 512 : i32
    %mul3A_61 = arith.muli %arg1, %mul3A_60 : i32
    %iota3A_62 = tpu.iota {dimensions = array<i32: 0>} : vector<512x16xi32>
    %add3A_63 = vector.broadcast %mul3A_61 : i32 to vector<512x16xi32>
    %add3A_64 = arith.addi %add3A_63, %iota3A_62 : vector<512x16xi32>
    %broadcast_in_dim3A = arith.constant -1 : i32
    %broadcast_in_dim3A_65 = vector.broadcast %broadcast_in_dim3A : i32 to vector<512x1xi32>
    %iota3A_66 = tpu.iota {dimensions = array<i32: 1>} : vector<512x2048xi32>
    %scan3A = arith.constant 1073741824 : i32
    %scan3A_67 = arith.constant 0 : i32
    %scan3A_68 = arith.constant 8 : i32
    %scan3A_69 = arith.addi %scan3A_67, %scan3A_68 : i32
    %scan3A_70 = arith.constant 1 : i32
    %scan3A_71:4 = scf.for %scan3A_79 = %scan3A_67 to %scan3A_69 step %scan3A_70 iter_args(%scan3A_80 = %sub3A_59, %scan3A_81 = %broadcast_in_dim3A_65, %scan3A_82 = %broadcast_in_dim3A_65, %scan3A_83 = %add3A_64) -> (vector<512x2048xf32>, vector<512x1xi32>, vector<512x1xi32>, vector<512x16xi32>)  : i32 {
      %eq3A = vector.broadcast %scan3A_81 : vector<512x1xi32> to vector<512x2048xi32>
      %eq3A_84 = arith.cmpi eq, %iota3A_66, %eq3A : vector<512x2048xi32>
      %eq3A_85 = vector.broadcast %scan3A_82 : vector<512x1xi32> to vector<512x2048xi32>
      %eq3A_86 = arith.cmpi eq, %iota3A_66, %eq3A_85 : vector<512x2048xi32>
      %or3A = arith.ori %eq3A_84, %eq3A_86 : vector<512x2048xi1>
      %jit3A = arith.constant -1.000000e+30 : f32
      %broadcast_in_dim3A_87 = vector.broadcast %jit3A : f32 to vector<512x2048xf32>
      %select_n3A = arith.select %or3A, %broadcast_in_dim3A_87, %scan3A_80 : vector<512x2048xi1>, vector<512x2048xf32>
      %reduce_max3A = arith.constant dense<0xFF800000> : vector<512xf32>
      %reduce_max3A_88 = vector.multi_reduction <maximumf>, %select_n3A, %reduce_max3A [1] : vector<512x2048xf32> to vector<512xf32>
      %broadcast_in_dim3A_89 = vector.shape_cast %reduce_max3A_88 : vector<512xf32> to vector<512x1xf32>
      %eq3A_90 = vector.broadcast %broadcast_in_dim3A_89 : vector<512x1xf32> to vector<512x2048xf32>
      %eq3A_91 = arith.cmpf oeq, %select_n3A, %eq3A_90 : vector<512x2048xf32>
      %broadcast_in_dim3A_92 = vector.broadcast %scan3A : i32 to vector<512x2048xi32>
      %select_n3A_93 = arith.select %eq3A_91, %iota3A_66, %broadcast_in_dim3A_92 : vector<512x2048xi1>, vector<512x2048xi32>
      %reduce_min3A = arith.constant dense<2147483647> : vector<512xi32>
      %reduce_min3A_94 = vector.multi_reduction <minsi>, %select_n3A_93, %reduce_min3A [1] : vector<512x2048xi32> to vector<512xi32>
      %broadcast_in_dim3A_95 = vector.shape_cast %reduce_min3A_94 : vector<512xi32> to vector<512x1xi32>
      %gt3A = vector.broadcast %broadcast_in_dim3A_95 : vector<512x1xi32> to vector<512x2048xi32>
      %gt3A_96 = arith.cmpi sgt, %select_n3A_93, %gt3A : vector<512x2048xi32>
      %broadcast_in_dim3A_97 = vector.broadcast %scan3A : i32 to vector<512x2048xi32>
      %select_n3A_98 = arith.select %gt3A_96, %select_n3A_93, %broadcast_in_dim3A_97 : vector<512x2048xi1>, vector<512x2048xi32>
      %reduce_min3A_99 = arith.constant dense<2147483647> : vector<512xi32>
      %reduce_min3A_100 = vector.multi_reduction <minsi>, %select_n3A_98, %reduce_min3A_99 [1] : vector<512x2048xi32> to vector<512xi32>
      %broadcast_in_dim3A_101 = vector.shape_cast %reduce_min3A_100 : vector<512xi32> to vector<512x1xi32>
      %jit3A_102 = arith.constant -1.000000e+30 : f32
      %broadcast_in_dim3A_103 = vector.broadcast %jit3A_102 : f32 to vector<512x2048xf32>
      %select_n3A_104 = arith.select %eq3A_91, %broadcast_in_dim3A_103, %select_n3A : vector<512x2048xi1>, vector<512x2048xf32>
      %reduce_max3A_105 = arith.constant dense<0xFF800000> : vector<512xf32>
      %reduce_max3A_106 = vector.multi_reduction <maximumf>, %select_n3A_104, %reduce_max3A_105 [1] : vector<512x2048xf32> to vector<512xf32>
      %broadcast_in_dim3A_107 = vector.shape_cast %reduce_max3A_106 : vector<512xf32> to vector<512x1xf32>
      %eq3A_108 = vector.broadcast %broadcast_in_dim3A_107 : vector<512x1xf32> to vector<512x2048xf32>
      %eq3A_109 = arith.cmpf oeq, %select_n3A, %eq3A_108 : vector<512x2048xf32>
      %broadcast_in_dim3A_110 = vector.broadcast %scan3A : i32 to vector<512x2048xi32>
      %select_n3A_111 = arith.select %eq3A_109, %iota3A_66, %broadcast_in_dim3A_110 : vector<512x2048xi1>, vector<512x2048xi32>
      %reduce_min3A_112 = arith.constant dense<2147483647> : vector<512xi32>
      %reduce_min3A_113 = vector.multi_reduction <minsi>, %select_n3A_111, %reduce_min3A_112 [1] : vector<512x2048xi32> to vector<512xi32>
      %broadcast_in_dim3A_114 = vector.shape_cast %reduce_min3A_113 : vector<512xi32> to vector<512x1xi32>
      %lt3A = vector.broadcast %scan3A : i32 to vector<512x1xi32>
      %lt3A_115 = arith.cmpi slt, %broadcast_in_dim3A_101, %lt3A : vector<512x1xi32>
      %select_n3A_116 = arith.select %lt3A_115, %broadcast_in_dim3A_101, %broadcast_in_dim3A_114 : vector<512x1xi1>, vector<512x1xi32>
      %mul3A_117 = arith.constant 2 : i32
      %mul3A_118 = arith.muli %mul3A_117, %scan3A_79 : i32
      %sub3A_119 = arith.constant 1 : i32
      %sub3A_120 = arith.subi %mul3A_118, %sub3A_119 : i32
      %eq3A_121 = vector.broadcast %sub3A_120 : i32 to vector<512x16xi32>
      %eq3A_122 = arith.cmpi eq, %iota3A, %eq3A_121 : vector<512x16xi32>
      %broadcast_in_dim3A_123 = vector.shape_cast %broadcast_in_dim3A_95 : vector<512x1xi32> to vector<512x1xi32>
      %broadcast_in_dim3A_124 = vector.broadcast %broadcast_in_dim3A_123 : vector<512x1xi32> to vector<512x16xi32>
      %select_n3A_125 = arith.select %eq3A_122, %broadcast_in_dim3A_124, %scan3A_83 : vector<512x16xi1>, vector<512x16xi32>
      %mul3A_126 = arith.constant 2 : i32
      %mul3A_127 = arith.muli %mul3A_126, %scan3A_79 : i32
      %eq3A_128 = vector.broadcast %mul3A_127 : i32 to vector<512x16xi32>
      %eq3A_129 = arith.cmpi eq, %iota3A, %eq3A_128 : vector<512x16xi32>
      %broadcast_in_dim3A_130 = vector.shape_cast %select_n3A_116 : vector<512x1xi32> to vector<512x1xi32>
      %broadcast_in_dim3A_131 = vector.broadcast %broadcast_in_dim3A_130 : vector<512x1xi32> to vector<512x16xi32>
      %select_n3A_132 = arith.select %eq3A_129, %broadcast_in_dim3A_131, %select_n3A_125 : vector<512x16xi1>, vector<512x16xi32>
      scf.yield %select_n3A, %broadcast_in_dim3A_95, %select_n3A_116, %select_n3A_132 : vector<512x2048xf32>, vector<512x1xi32>, vector<512x1xi32>, vector<512x16xi32>
    }
    %scan3A_72 = arith.constant 8 : i32
    %mul3A_73 = arith.constant 2048 : i32
    %mul3A_74 = arith.muli %arg0, %mul3A_73 : i32
    %add3A_75 = vector.broadcast %mul3A_74 : i32 to vector<512x16xi32>
    %add3A_76 = arith.addi %scan3A_71#3, %add3A_75 : vector<512x16xi32>
    %swap3A = arith.constant 0 : index
    %swap3A_77 = arith.constant 0 : index
    %swap3A_78 = vector.load %arg4[%swap3A, %swap3A_77] : memref<512x16xi32, #tpu.memory_space<vmem>>, vector<512x16xi32>
    tpu.vector_store %arg4[%swap3A, %swap3A_77], %add3A_76 {strides = array<i32>} : memref<512x16xi32, #tpu.memory_space<vmem>>, vector<512x16xi32>,
    return
  }
  func.func @transform_0(%arg0: i32, %arg1: i32) -> (i32, i32, i32) {
    %c0_i32 = arith.constant 0 : i32
    %c0_i32_0 = arith.constant 0 : i32
    return %arg0, %arg1, %c0_i32 : i32, i32, i32
  }
  func.func @transform_1(%arg0: i32, %arg1: i32) -> (i32, i32, i32) {
    %c0_i32 = arith.constant 0 : i32
    %c0_i32_0 = arith.constant 0 : i32
    %c0_i32_1 = arith.constant 0 : i32
    return %arg0, %c0_i32, %c0_i32_0 : i32, i32, i32
  }
  func.func @transform_2(%arg0: i32, %arg1: i32) -> (i32, i32) {
    %mul3A = arith.constant 4 : i32
    %mul3A_0 = arith.muli %arg0, %mul3A : i32
    %add3A = arith.addi %mul3A_0, %arg1 : i32
    %c0_i32 = arith.constant 0 : i32
    %c0_i32_1 = arith.constant 0 : i32
    return %add3A, %c0_i32 : i32, i32
  }
}

module attributes {stable_mosaic.version = 14 : i64} {
  func.func @_mlp_body(%arg0: i32, %arg1: memref<512x256xf32, #tpu.memory_space<vmem>>, %arg2: memref<512x16xf32, #tpu.memory_space<vmem>>, %arg3: memref<16x128xf32, #tpu.memory_space<vmem>>, %arg4: memref<128x128xf32, #tpu.memory_space<vmem>>, %arg5: memref<128x128xf32, #tpu.memory_space<vmem>>, %arg6: memref<512x128xf32, #tpu.memory_space<vmem>>) attributes {dimension_semantics = [#tpu.dimension_semantics<arbitrary>], iteration_bounds = array<i64: 32>, scalar_prefetch = 0 : i64, scratch_operands = 0 : i64, tpu.core_type = #tpu.core_type<tc>, window_params = [{transform_indices = @transform_0, window_bounds = array<i64: 512, 256>}, {transform_indices = @transform_1, window_bounds = array<i64: 512, 16>}, {pipeline_mode = #tpu.pipeline_mode<synchronous>, transform_indices = @transform_2, window_bounds = array<i64: 16, 128>}, {pipeline_mode = #tpu.pipeline_mode<synchronous>, transform_indices = @transform_3, window_bounds = array<i64: 128, 128>}, {pipeline_mode = #tpu.pipeline_mode<synchronous>, transform_indices = @transform_4, window_bounds = array<i64: 128, 128>}, {transform_indices = @transform_5, window_bounds = array<i64: 512, 128>}]} {
    %get3A = arith.constant 0 : index
    %get3A_0 = arith.constant 0 : index
    %get3A_1 = vector.load %arg2[%get3A, %get3A_0] : memref<512x16xf32, #tpu.memory_space<vmem>>, vector<512x16xf32>
    %get3A_2 = arith.constant 0 : index
    %get3A_3 = arith.constant 0 : index
    %get3A_4 = vector.load %arg1[%get3A_2, %get3A_3] : memref<512x256xf32, #tpu.memory_space<vmem>>, vector<512x256xf32>
    %slice3A = vector.extract_strided_slice %get3A_4 {offsets = [0, 0], sizes = [512, 16], strides = [1, 1]} : vector<512x256xf32> to vector<512x16xf32>
    %sub3A = arith.subf %slice3A, %get3A_1 : vector<512x16xf32>
    %slice3A_5 = vector.extract_strided_slice %get3A_4 {offsets = [0, 16], sizes = [512, 16], strides = [1, 1]} : vector<512x256xf32> to vector<512x16xf32>
    %sub3A_6 = arith.subf %slice3A_5, %get3A_1 : vector<512x16xf32>
    %slice3A_7 = vector.extract_strided_slice %get3A_4 {offsets = [0, 32], sizes = [512, 16], strides = [1, 1]} : vector<512x256xf32> to vector<512x16xf32>
    %sub3A_8 = arith.subf %slice3A_7, %get3A_1 : vector<512x16xf32>
    %slice3A_9 = vector.extract_strided_slice %get3A_4 {offsets = [0, 48], sizes = [512, 16], strides = [1, 1]} : vector<512x256xf32> to vector<512x16xf32>
    %sub3A_10 = arith.subf %slice3A_9, %get3A_1 : vector<512x16xf32>
    %slice3A_11 = vector.extract_strided_slice %get3A_4 {offsets = [0, 64], sizes = [512, 16], strides = [1, 1]} : vector<512x256xf32> to vector<512x16xf32>
    %sub3A_12 = arith.subf %slice3A_11, %get3A_1 : vector<512x16xf32>
    %slice3A_13 = vector.extract_strided_slice %get3A_4 {offsets = [0, 80], sizes = [512, 16], strides = [1, 1]} : vector<512x256xf32> to vector<512x16xf32>
    %sub3A_14 = arith.subf %slice3A_13, %get3A_1 : vector<512x16xf32>
    %slice3A_15 = vector.extract_strided_slice %get3A_4 {offsets = [0, 96], sizes = [512, 16], strides = [1, 1]} : vector<512x256xf32> to vector<512x16xf32>
    %sub3A_16 = arith.subf %slice3A_15, %get3A_1 : vector<512x16xf32>
    %slice3A_17 = vector.extract_strided_slice %get3A_4 {offsets = [0, 112], sizes = [512, 16], strides = [1, 1]} : vector<512x256xf32> to vector<512x16xf32>
    %sub3A_18 = arith.subf %slice3A_17, %get3A_1 : vector<512x16xf32>
    %slice3A_19 = vector.extract_strided_slice %get3A_4 {offsets = [0, 128], sizes = [512, 16], strides = [1, 1]} : vector<512x256xf32> to vector<512x16xf32>
    %sub3A_20 = arith.subf %slice3A_19, %get3A_1 : vector<512x16xf32>
    %slice3A_21 = vector.extract_strided_slice %get3A_4 {offsets = [0, 144], sizes = [512, 16], strides = [1, 1]} : vector<512x256xf32> to vector<512x16xf32>
    %sub3A_22 = arith.subf %slice3A_21, %get3A_1 : vector<512x16xf32>
    %slice3A_23 = vector.extract_strided_slice %get3A_4 {offsets = [0, 160], sizes = [512, 16], strides = [1, 1]} : vector<512x256xf32> to vector<512x16xf32>
    %sub3A_24 = arith.subf %slice3A_23, %get3A_1 : vector<512x16xf32>
    %slice3A_25 = vector.extract_strided_slice %get3A_4 {offsets = [0, 176], sizes = [512, 16], strides = [1, 1]} : vector<512x256xf32> to vector<512x16xf32>
    %sub3A_26 = arith.subf %slice3A_25, %get3A_1 : vector<512x16xf32>
    %slice3A_27 = vector.extract_strided_slice %get3A_4 {offsets = [0, 192], sizes = [512, 16], strides = [1, 1]} : vector<512x256xf32> to vector<512x16xf32>
    %sub3A_28 = arith.subf %slice3A_27, %get3A_1 : vector<512x16xf32>
    %slice3A_29 = vector.extract_strided_slice %get3A_4 {offsets = [0, 208], sizes = [512, 16], strides = [1, 1]} : vector<512x256xf32> to vector<512x16xf32>
    %sub3A_30 = arith.subf %slice3A_29, %get3A_1 : vector<512x16xf32>
    %slice3A_31 = vector.extract_strided_slice %get3A_4 {offsets = [0, 224], sizes = [512, 16], strides = [1, 1]} : vector<512x256xf32> to vector<512x16xf32>
    %sub3A_32 = arith.subf %slice3A_31, %get3A_1 : vector<512x16xf32>
    %slice3A_33 = vector.extract_strided_slice %get3A_4 {offsets = [0, 240], sizes = [512, 16], strides = [1, 1]} : vector<512x256xf32> to vector<512x16xf32>
    %sub3A_34 = arith.subf %slice3A_33, %get3A_1 : vector<512x16xf32>
    %concatenate3A = tpu.concatenate %sub3A, %sub3A_6, %sub3A_8, %sub3A_10, %sub3A_12, %sub3A_14, %sub3A_16, %sub3A_18, %sub3A_20, %sub3A_22, %sub3A_24, %sub3A_26, %sub3A_28, %sub3A_30, %sub3A_32, %sub3A_34 in 0 : vector<512x16xf32>, vector<512x16xf32>, vector<512x16xf32>, vector<512x16xf32>, vector<512x16xf32>, vector<512x16xf32>, vector<512x16xf32>, vector<512x16xf32>, vector<512x16xf32>, vector<512x16xf32>, vector<512x16xf32>, vector<512x16xf32>, vector<512x16xf32>, vector<512x16xf32>, vector<512x16xf32>, vector<512x16xf32> -> vector<8192x16xf32>
    %get3A_35 = arith.constant 0 : index
    %get3A_36 = arith.constant 0 : index
    %get3A_37 = vector.load %arg3[%get3A_35, %get3A_36] : memref<16x128xf32, #tpu.memory_space<vmem>>, vector<16x128xf32>
    %dot_general3A = arith.constant dense<0.000000e+00> : vector<8192x128xf32>
    %dot_general3A_38 = tpu.matmul %concatenate3A, %get3A_37, %dot_general3A {dimension_numbers = #tpu.dot_dimension_numbers<[1], [0], [0], [1], [0, 0, 1, 1], [], []>, transpose_lhs_hint = false} : vector<8192x16xf32>, vector<16x128xf32>, vector<8192x128xf32> -> vector<8192x128xf32>
    %max3A = arith.constant 0.000000e+00 : f32
    %max3A_39 = vector.broadcast %max3A : f32 to vector<8192x128xf32>
    %max3A_40 = arith.maximumf %dot_general3A_38, %max3A_39 : vector<8192x128xf32>
    %get3A_41 = arith.constant 0 : index
    %get3A_42 = arith.constant 0 : index
    %get3A_43 = vector.load %arg4[%get3A_41, %get3A_42] : memref<128x128xf32, #tpu.memory_space<vmem>>, vector<128x128xf32>
    %dot_general3A_44 = arith.constant dense<0.000000e+00> : vector<8192x128xf32>
    %dot_general3A_45 = tpu.matmul %max3A_40, %get3A_43, %dot_general3A_44 {dimension_numbers = #tpu.dot_dimension_numbers<[1], [0], [0], [1], [0, 0, 1, 1], [], []>, transpose_lhs_hint = false} : vector<8192x128xf32>, vector<128x128xf32>, vector<8192x128xf32> -> vector<8192x128xf32>
    %max3A_46 = arith.constant 0.000000e+00 : f32
    %max3A_47 = vector.broadcast %max3A_46 : f32 to vector<8192x128xf32>
    %max3A_48 = arith.maximumf %dot_general3A_45, %max3A_47 : vector<8192x128xf32>
    %get3A_49 = arith.constant 0 : index
    %get3A_50 = arith.constant 0 : index
    %get3A_51 = vector.load %arg5[%get3A_49, %get3A_50] : memref<128x128xf32, #tpu.memory_space<vmem>>, vector<128x128xf32>
    %dot_general3A_52 = arith.constant dense<0.000000e+00> : vector<8192x128xf32>
    %dot_general3A_53 = tpu.matmul %max3A_48, %get3A_51, %dot_general3A_52 {dimension_numbers = #tpu.dot_dimension_numbers<[1], [0], [0], [1], [0, 0, 1, 1], [], []>, transpose_lhs_hint = false} : vector<8192x128xf32>, vector<128x128xf32>, vector<8192x128xf32> -> vector<8192x128xf32>
    %reshape3A = vector.shape_cast %dot_general3A_53 : vector<8192x128xf32> to vector<16x512x128xf32>
    %slice3A_54 = vector.extract_strided_slice %reshape3A {offsets = [0, 0, 0], sizes = [15, 512, 128], strides = [1, 1, 1]} : vector<16x512x128xf32> to vector<15x512x128xf32>
    %reduce_max3A = arith.constant dense<0xFF800000> : vector<512x128xf32>
    %reduce_max3A_55 = vector.multi_reduction <maximumf>, %slice3A_54, %reduce_max3A [0] : vector<15x512x128xf32> to vector<512x128xf32>
    %swap3A = arith.constant 0 : index
    %swap3A_56 = arith.constant 0 : index
    %swap3A_57 = vector.load %arg6[%swap3A, %swap3A_56] : memref<512x128xf32, #tpu.memory_space<vmem>>, vector<512x128xf32>
    tpu.vector_store %arg6[%swap3A, %swap3A_56], %reduce_max3A_55 {strides = array<i32>} : memref<512x128xf32, #tpu.memory_space<vmem>>, vector<512x128xf32>,
    return
  }
  func.func @transform_0(%arg0: i32) -> (i32, i32) {
    %c0_i32 = arith.constant 0 : i32
    %c0_i32_0 = arith.constant 0 : i32
    return %arg0, %c0_i32 : i32, i32
  }
  func.func @transform_1(%arg0: i32) -> (i32, i32) {
    %c0_i32 = arith.constant 0 : i32
    %c0_i32_0 = arith.constant 0 : i32
    return %arg0, %c0_i32 : i32, i32
  }
  func.func @transform_2(%arg0: i32) -> (i32, i32) {
    %c0_i32 = arith.constant 0 : i32
    %c0_i32_0 = arith.constant 0 : i32
    %c0_i32_1 = arith.constant 0 : i32
    return %c0_i32, %c0_i32_0 : i32, i32
  }
  func.func @transform_3(%arg0: i32) -> (i32, i32) {
    %c0_i32 = arith.constant 0 : i32
    %c0_i32_0 = arith.constant 0 : i32
    %c0_i32_1 = arith.constant 0 : i32
    return %c0_i32, %c0_i32_0 : i32, i32
  }
  func.func @transform_4(%arg0: i32) -> (i32, i32) {
    %c0_i32 = arith.constant 0 : i32
    %c0_i32_0 = arith.constant 0 : i32
    %c0_i32_1 = arith.constant 0 : i32
    return %c0_i32, %c0_i32_0 : i32, i32
  }
  func.func @transform_5(%arg0: i32) -> (i32, i32) {
    %c0_i32 = arith.constant 0 : i32
    %c0_i32_0 = arith.constant 0 : i32
    return %arg0, %c0_i32 : i32, i32
  }
}

</mosaic_0001>

<sc_bundles>
// kernel: kernel.5.cloned.1.call-start
scs
__scs_entry_jumppad:
0x0: {  	(pc) =	sbr.rel $0x88, $3  }
0x1: {  	(tag) =	ssettag $0x0;
	lr =	simm.s32 $0x1  }
0x2: {  	[smem:$0x3F9D] =	sst lr;
	_ =	strace $0xD0000000  }
0x3: {  	_ = 	snop  }
0x4: {  	_ = 	snop  }
0x5: {  	_ = 	snop  }
0x6: {  	_ = 	snop  }
0x7: {  	_ = 	snop  }
__scs_overlays_trampoline_lowered:
0x8: {  	[smem:$0x3FAC] =	sst s0  }
0x9: {  	[smem:$0x3FAD] =	sst s1  }
0xa: {  	[smem:$0x3FAE] =	sst s2  }
0xb: {  	[smem:$0x3FAF] =	sst s3  }
0xc: {  	[smem:$0x3FB0] =	sst s4  }
0xd: {  	[smem:$0x3FB1] =	sst s5  }
0xe: {  	[smem:$0x3FB2] =	sst s6  }
0xf: {  	[smem:$0x3FB3] =	sst s7  }
0x10: {  	[smem:$0x3FB4] =	sst s8  }
0x11: {  	[smem:$0x3FB5] =	sst s9;
	s0 =	simm.s32 @!p0 $0x0  }
0x12: {  	s1 =	sld [smem:$0x3F9B];
	s0 =	simm.s32 @p0 $0x1  }
0x13: {  	[smem:$0x3FB6] =	sst s0;
	s0 =	simm.s32 @!p1 $0x0  }
0x14: {  	s2 =	sld [smem:$0x3F9A];
	s0 =	simm.s32 @p1 $0x1  }
0x15: {  	[smem:$0x3FB7] =	sst s0;
	s0 =	simm.s32 @!p2 $0x0  }
0x16: {  	s3 =	sld [smem:$0x3FDB];
	s0 =	simm.s32 @p2 $0x1  }
0x17: {  	s4 =	simm.s32 $0x1BF5;
	[smem:$0x3FB9] =	sst s0  }
0x18: {  	s0 =	sld [smem:$0x3F9C];
	_ =	swait.ge [sflag:s4], $0x0  }
0x19: {  	s7 =	sld [smem:$0x3F9D]  }
0x1a: {  	s8 =	sadd.s32 $0xFFFFE003, lr  }
0x1b: {  	s9 =	sadd.s32 $0xFFFFFEF7, lr;
	s5 =	simm.s32 $0xFFFFFFFF;
	p2 =	slt.u32 s8, $0xFFFFF086  }
0x1c: {  	p1 =	slt.u32 s9, $0xF7A;
	s5 =	simm.s32 @!p2 $0x0  }
0x1d: {  	s5 =	simm.s32 @p1 $0x1;
	p0 =	seq.s32 s7, s2  }
0x1e: {  	s7 =	smul.u32 @!p0 $0xF7A, s2;
	p2 =	seq.s32 @!p0 s5, $0x0  }
0x1f: {  	s9 =	smul.u32 $0xF7A, s1;
	s8 =	simm.s32 @!p0 $0x1BF5;
	p2 =	por !p2, p0  }
0x20: {  	[sflag:s8] =	ssyncset.s32 @!p0 $0xFFFFF086;
	s6 =	sadd.s32 @!p0 s3, s7;
	s7 =	simm.s32 @!p0 $0x108  }
0x21: {  	s3 =	sadd.s32 s3, s9;
	s6 =	sadd.s32 @!p0 $0x88, s6;
	s7 =	simm.s32 @p2 $0x1082  }
0x22: {  	[simem:s7], [sflag:s8] =	dma.local @!p0 [hbm:s6], $0xF7A  }
0x23: {  	s9 =	sor.u32 $0xD0000000, s2;
	s6 =	simm.s32 $0x108;
	_ =	swait.ge @!p0 [sflag:s8], $0x0  }
0x24: {  	s3 =	sadd.s32 $0x88, s3;
	s6 =	simm.s32 @!p1 $0x1082;
	[sflag:s4] =	ssyncset.s32 $0xFFFFF086  }
0x25: {  	[simem:s6], [sflag:s4] =	dma.local [hbm:s3], $0xF7A  }
0x26: {  	[smem:$0x3F9D] =	sst s1;
	(tag) =	ssettag s2;
	_ =	strace s9  }
0x27: {  	s1 =	sld [smem:$0x3FAD]  }
0x28: {  	s2 =	sld [smem:$0x3FAE]  }
0x29: {  	s4 =	sld [smem:$0x3FB0]  }
0x2a: {  	p0 =	seq.s32 s5, $0x0;
	s5 =	sld [smem:$0x3FB1]  }
0x2b: {  	s6 =	sld [smem:$0x3FB2]  }
0x2c: {  	s7 =	sld [smem:$0x3FB3]  }
0x2d: {  	s3 =	simm.s32 $0x108;
	s8 =	sld [smem:$0x3FB4]  }
0x2e: {  	s3 =	simm.s32 @!p0 $0x1082;
	s9 =	sld [smem:$0x3FB5]  }
0x2f: {  	lr =	sadd.s32 s0, s3;
	s0 =	sld [smem:$0x3FAC]  }
0x30: {  	s3 =	sld [smem:$0x3FAF]  }
0x31: {  	[smem:$0x3FB8] =	sst s10  }
0x32: {  	s10 =	sld [smem:$0x3FB6];
	_ =	sdelay $0x3  }
0x33: {  	p0 =	seq.s32 s10, $0x1;
	s10 =	sld [smem:$0x3FB8];
	_ =	sdelay $0x3  }
0x34: {  	[smem:$0x3FB8] =	sst s10  }
0x35: {  	s10 =	sld [smem:$0x3FB7];
	_ =	sdelay $0x3  }
0x36: {  	p1 =	seq.s32 s10, $0x1;
	s10 =	sld [smem:$0x3FB8];
	_ =	sdelay $0x3  }
0x37: {  	[smem:$0x3FB8] =	sst s10  }
0x38: {  	s10 =	sld [smem:$0x3FB9]  }
0x39: {  	_ = 	snop;
	(pc) =	sbr.ind lr, $3  }
0x3a: {  	_ = 	snop  }
0x3b: {  	_ = 	snop  }
0x3c: {  	p2 =	seq.s32 s10, $0x1;
	s10 =	sld [smem:$0x3FB8]  }
0x3d: {  	_ =	shalt  }
0x3e: {  	_ =	shalt  }
0x3f: {  	_ =	shalt  }
0x40: {  	_ =	shalt  }
0x41: {  	_ =	shalt  }
0x42: {  	_ =	shalt  }
0x43: {  	_ =	shalt  }
0x44: {  	_ =	shalt  }
0x45: {  	_ =	shalt  }
0x46: {  	_ =	shalt  }
0x47: {  	_ =	shalt  }
0x48: {  	_ =	shalt  }
0x49: {  	_ =	shalt  }
0x4a: {  	_ =	shalt  }
0x4b: {  	_ =	shalt  }
0x4c: {  	_ =	shalt  }
0x4d: {  	_ =	shalt  }
0x4e: {  	_ =	shalt  }
0x4f: {  	_ =	shalt  }
0x50: {  	_ =	shalt  }
0x51: {  	_ =	shalt  }
0x52: {  	_ =	shalt  }
0x53: {  	_ =	shalt  }
0x54: {  	_ =	shalt  }
0x55: {  	_ =	shalt  }
0x56: {  	_ =	shalt  }
0x57: {  	_ =	shalt  }
0x58: {  	_ =	shalt  }
0x59: {  	_ =	shalt  }
0x5a: {  	_ =	shalt  }
0x5b: {  	_ =	shalt  }
0x5c: {  	_ =	shalt  }
0x5d: {  	_ =	shalt  }
0x5e: {  	_ =	shalt  }
0x5f: {  	_ =	shalt  }
0x60: {  	_ =	shalt  }
0x61: {  	_ =	shalt  }
0x62: {  	_ =	shalt  }
0x63: {  	_ =	shalt  }
0x64: {  	_ =	shalt  }
0x65: {  	_ =	shalt  }
0x66: {  	_ =	shalt  }
0x67: {  	_ =	shalt  }
0x68: {  	_ =	shalt  }
0x69: {  	_ =	shalt  }
0x6a: {  	_ =	shalt  }
0x6b: {  	_ =	shalt  }
0x6c: {  	_ =	shalt  }
0x6d: {  	_ =	shalt  }
0x6e: {  	_ =	shalt  }
0x6f: {  	_ =	shalt  }
0x70: {  	_ =	shalt  }
0x71: {  	_ =	shalt  }
0x72: {  	_ =	shalt  }
0x73: {  	_ =	shalt  }
0x74: {  	_ =	shalt  }
0x75: {  	_ =	shalt  }
0x76: {  	_ =	shalt  }
0x77: {  	_ =	shalt  }
0x78: {  	_ =	shalt  }
0x79: {  	_ =	shalt  }
0x7a: {  	_ =	shalt  }
0x7b: {  	_ =	shalt  }
0x7c: {  	_ =	shalt  }
0x7d: {  	_ =	shalt  }
0x7e: {  	_ =	shalt  }
0x7f: {  	_ =	shalt  }
0x80: {  	_ =	shalt  }
0x81: {  	_ =	shalt  }
0x82: {  	_ =	shalt  }
0x83: {  	_ =	shalt  }
0x84: {  	_ =	shalt  }
0x85: {  	_ =	shalt  }
0x86: {  	_ =	shalt  }
0x87: {  	_ =	shalt  }
.Lfunc_end0:
.L_simem_size_0:
called_computation_lowered:
.L_overlay_start_0:
0x88: {  	s2 =	sld [smem:$0x3FD9]  }
0x89: {  	s3 =	sld [smem:$0x3FFE];
	_ =	sdelay $0x1  }
0x8a: {  	s1 =	srdreg.scid  }
0x8b: {  	s0 =	sand.u32 $0x1, s1  }
0x8c: {  	s17 =	sshll.u32 s0, $0xA;
	s2 =	sadd.s32 s3, s2  }
0x8d: {  	s2 =	sadd.s32 s2, s17  }
0x8e: {  	[smem:$0x3FC4] =	sst s2  }
0x8f: {  	_ = 	snop  }
0x90: {  	s2 =	sld [smem:$0x3FD0];
	(tm) =	ssettm $0x1  }
0x91: {  	s18 =	sld [smem:$0x3FFB];
	_ =	sdelay $0x3  }
0x92: {  	_ =	strace s18  }
0x93: {  	s3 =	sld [smem:$0x3FFC];
	_ =	sdelay $0x3  }
0x94: {  	_ =	strace s3  }
0x95: {  	s3 =	sld [smem:$0x3FFD];
	_ =	sdelay $0x3  }
0x96: {  	_ =	strace s3  }
0x97: {  	_ =	strace $0x8FFFFFFF  }
0x98: {  	s19 =	sld [smem:$0x3FDB];
	_ =	sdelay $0x1  }
0x99: {  	s4 =	simm.s32 $_scs_section_size  }
0x9a: {  	s5 =	simm.s32 $_size__tile_overlayer_lowered;
	s6 =	simm.s32 $_tile_overlayer_lowered  }
0x9b: {  	s22 =	simm.s32 $0x1BFF;
	s21 =	sshll.u32 s6, $0x1;
	s3 =	sadd.s32 s4, s19  }
0x9c: {  	s7 =	simm.s32 $0x0;
	s20 =	sshll.u32 s5, $0x1;
	s5 =	sadd.s32 s21, s3  }
0x9d: {  	[timem:s7], [sflag:s22] =	dma.local [hbm:s5], s20  }
0x9e: {  	_ =	swait.ge [sflag:s22], s20  }
0x9f: {  	s4 =	ssub.s32 $0x0, s20;
	[sflag:s22] =	ssyncset.done $0x0  }
0xa0: {  	[sflag:s22] =	ssyncadd.s32 s4;
	_ =	sdelay $0x1  }
0xa1: {  	s23 =	simm.s32 $0x1B8B  }
0xa2: {  	_ =	swait.ge [sflag:s23], $0x1  }
0xa3: {  	[sflag:s23] =	ssyncset.done $0x0  }
0xa4: {  	s25 =	simm.s32 $0x1B8E;
	s24 =	sld [smem:$0x3FFE];
	[sflag:s23] =	ssyncadd.s32 $0xFFFFFFFF  }
0xa5: {  	s26 =	simm.s32 $execute0_lowered;
	[smem:$0x3FD2] =	sst s25  }
0xa6: {  	s5 =	sshll.u32 s26, $0x1;
	_ =	strace $0x80000046;
	[dreg:$0x1] =	wrdreg $0xFFFFFFFF  }
0xa7: {  	s28 =	simm.s32 $_size_execute0_lowered;
	s3 =	sadd.s32 s3, s5;
	[dreg:$0x0] =	wrdreg $0x0  }
0xa8: {  	s5 =	sshll.u32 s28, $0x1;
	[dreg:$0x2] =	wrdreg s3  }
0xa9: {  	[dreg:$0x3] =	wrdreg s5  }
0xaa: {  	[dreg:$0x4] =	wrdreg $0xC0  }
0xab: {  	_ =	task [dreg:s7], $0x5FFFF  }
0xac: {  	[dreg:$0x1] =	wrdreg $0xFFFFFFFF  }
0xad: {  	[dreg:$0x0] =	wrdreg $0x60  }
0xae: {  	[dreg:$0x2] =	wrdreg s2  }
0xaf: {  	[dreg:$0x3] =	wrdreg s24  }
0xb0: {  	[dreg:$0x4] =	wrdreg $0x9  }
0xb1: {  	_ =	task.clear_ibuf [dreg:s7], $0x5FFFF;
	_ =	strace $0x90000046  }
0xb2: {  	s29 =	simm.s32 $0x9;
	_ =	strace $0x80000048  }
0xb3: {  	_ =	swait.ge [sflag:s29], $0x1  }
0xb4: {  	[sflag:s29] =	ssyncadd.s32 $0xFFFFFFFF  }
0xb5: {  	_ =	strace $0x90000048  }
0xb6: {  	_ =	sfence  }
0xb7: {  	s30 =	sld [smem:$0x0];
	_ =	sdelay $0x2  }
0xb8: {  	s31 =	sshll.u32 s1, $0xD;
	s1 =	sshrl.u32 s1, $0x2  }
0xb9: {  	s3 =	sand.u32 $0x4000, s31;
	s1 =	sadd.s32 s1, s30  }
0xba: {  	s0 =	sor.u32 s3, s0;
	s1 =	sshll.u32 s1, $0x11  }
0xbb: {  	s0 =	sor.u32 s1, s0  }
0xbc: {  	s0 =	sadd.s32 $0x8F2B, s0  }
0xbd: {  	[sflag:s0] =	ssyncadd.remote.s32 $0x1  }
0xbe: {  	_ =	sfence.sel $0xFFFF  }
0xbf: {  	[dreg:$0x0] =	wrdreg $0xFFFFFFFF;
	(pc) =	sbr.abs _section_cstart, $3  }
0xc0: {  	[dreg:$0x1] =	wrdreg $0xFFFFFFFF  }
0xc1: {  	_ =	task.clear_ibuf [dreg:s7], $0x2FFFF;
	_ =	strace $0x9FFFFFFF  }
0xc2: {  	(tm) =	ssettm $0x7FFFFFFF  }
0xc3: {  	_ =	shalt  }
tec
execute0_lowered:
.L_overlay_start_1:
0x0: {  	(tag) =	ssettag $0x1  }
0x1: {  	s1 =	rddreg [dreg:$0x0]  }
0x2: {  	s4 =	rddreg [dreg:$0x1]  }
0x3: {  	s0 =	rddreg [dreg:$0x2];
	s5 =	srdreg.scid  }
0x4: {  	s3 =	simm.s32 $0x0;
	s2 =	stileid.u32;
	s10 =	simm.s32 $0x1  }
0x5: {  	s11 =	simm.s32 $0x0;
	s5 =	sand.u32 $0x1, s5;
	[smem:$0x7FF] =	sst s3  }
0x6: {  	s6 =	sshll.u32 s2, $0xB;
	s8 =	sshll.u32 s2, $0xF;
	s7 =	sshll.u32 s5, $0xA  }
0x7: {  	_ =	strace $0x80000047;
	s29 =	ssub.s32 $0x2, s5;
	s8 =	sadd.s32 s8, s4  }
0x8: {  	s30 =	sshll.u32 s5, $0xE;
	s6 =	sor.u32 s7, s6;
	s9 =	sshrl.u32 s29, $0x1  }
0x9: {  	s31 =	sadd.s32 s30, s8;
	s8 =	simm.s32 $0x80;
	s6 =	sadd.s32 s6, s4  }
0xa: {  	s7 =	ssub.s32 s29, s9;
	s9 =	simm.s32 $0x2000;
	s4 =	sadd.s32 $0xA00, s6  }
0xb: {  	s5 =	smax.u32 s7, $0x1;
	s6 =	sadd.s32 $0x8A00, s31;
	s7 =	simm.s32 $0x2  }
.LBB2_1:
0xc: {  	[tilespmem:s3], [sflag:$0x2] =	stream.linear.gather [hbm4b:s4+s3], $0x2000, $0x38;
	[tilespmem:$0x2800] =	vst v63  }
0xd: {  	_ =	swait.ge [sflag:s7], $0x2000  }
0xe: {  	[sflag:s7] =	ssyncset.done $0x0  }
0xf: {  	[sflag:s7] =	ssyncadd.s32 $0xFFFFE000  }
0x10: {  	[tilespmem:s9], [sflag:$0x1] =	stream.indirect.gather [hbm4b:s1+s8], $0x10, s3, s8, $0xb8;
	[tilespmem:$0x2800] =	vst v63  }
0x11: {  	_ =	swait.ge [sflag:s10], $0x800  }
0x12: {  	[sflag:s10] =	ssyncset.done $0x0  }
0x13: {  	s12 =	sadd.s32 $0x0, s6;
	[sflag:s10] =	ssyncadd.s32 $0xFFFFF800  }
0x14: {  	[hbm4b:s12+s3] =	stream.linear.scatter [tilespmem:s9], [sflag:$0x2], $0x800, $0x38;
	[tilespmem:$0x2800] =	vst v63  }
0x15: {  	_ =	swait.ge [sflag:s7], $0x800  }
0x16: {  	s13 =	simm.s32 $0x0;
	s12 =	simm.s32 $0x100;
	[sflag:s7] =	ssyncset.done $0x0  }
.LBB2_2:
0x17: {  	p0 =	sne.s32 s12, $0x3F00;
	[sflag:s7] =	ssyncadd.s32 $0xFFFFF800;
	s13 =	sadd.s32 $0x80, s13  }
0x18: {  	[tilespmem:s9], [sflag:$0x1] =	stream.indirect.gather [hbm4b:s1+s8], $0x10, s13, s8, $0xb8;
	[tilespmem:$0x2800] =	vst v63  }
0x19: {  	s14 =	smov.u32 s12;
	s12 =	sadd.s32 $0x100, s12;
	_ =	swait.ge [sflag:s10], $0x800  }
.Ltmp0:
0x1a: {  	[sflag:s10] =	ssyncset.done $0x0;
	(pc) =	sbr.rel @p0 .LBB2_2-.Ltmp0, $4  }
0x1b: {  	s14 =	sadd.s32 s14, s6;
	[sflag:s10] =	ssyncadd.s32 $0xFFFFF800  }
0x1c: {  	[hbm4b:s14+s3] =	stream.linear.scatter [tilespmem:s9], [sflag:$0x2], $0x800, $0x38;
	[tilespmem:$0x2800] =	vst v63  }
0x1d: {  	_ =	swait.ge [sflag:s7], $0x800  }
0x1e: {  	[sflag:s7] =	ssyncset.done $0x0  }
0x1f: {  	s11 =	sadd.s32 $0x1, s11  }
0x20: {  	p0 =	sne.s32 s11, s5  }
.Ltmp1:
0x21: {  	_ = 	snop;
	(pc) =	sbr.rel @p0 .LBB2_1-.Ltmp1, $2  }
0x22: {  	_ =	sdelay $0x2  }
0x23: {  	[sflag:s7] =	ssyncadd.s32 $0xFFFFF800  }
0x24: {  	_ =	sfence.sel $0x180000  }
0x25: {  	[bflag:$0x0] =	sbarrier.arrive $0xFFFF  }
0x26: {  	p0 =	sne.s32 s2, $0x0;
	_ =	strace $0x90000047  }
0x27: {  	s0 =	sadd.s32 @!p0 $0x100000, s0;
	[bflag:$0x2] =	sbarrier.arrive $0xFFFF  }
0x28: {  	[sflag:s0] =	ssyncadd.tile.s32 @!p0 $0x1;
	_ =	shalt  }
.Lfunc_end2:
_tile_overlayer_lowered:
.L_overlay_start_2:
0x29: {  	(tag) =	ssettag $0x2  }
0x2a: {  	s0 =	rddreg [dreg:$0x0];
	s2 =	stileid.u32  }
0x2b: {  	s1 =	rddreg [dreg:$0x1];
	p0 =	sne.s32 s2, $0x0  }
0x2c: {  	s3 =	rddreg [dreg:$0x2];
	[bflag:$0x3] =	sbarrier.arrive $0xFFFF;
	s2 =	simm.s32 @!p0 $0x1C02  }
0x2d: {  	[timem:s3], [sflag:s2] =	dma.local @!p0 [hbm:s0], s1  }
0x2e: {  	s0 =	simm.s32 @!p0 $0x2  }
0x2f: {  	_ =	swait.ge @!p0 [sflag:s0], s1  }
0x30: {  	s1 =	ssub.s32 @!p0 $0x0, s1;
	[sflag:s0] =	ssyncset.done @!p0 $0x0  }
0x31: {  	[sflag:s0] =	ssyncadd.s32 @!p0 s1  }
0x32: {  	[bflag:$0x3] =	sbarrier.arrive $0xFFFF  }
0x33: {  	_ =	shalt  }

</sc_bundles>
